<compile_context>
chip_gen: v7x
topology: tpu7x:2x2x1
jax: 0.10.2.dev20260603
libtpu: 0.0.44.dev20260713+nightly
codegen_flags: <defaults>
</compile_context>

<pallas_src>
import jax
import jax.numpy as jnp
from jax import lax
from jax.experimental import pallas as pl
from jax.experimental.pallas import tpu as pltpu
from jax.experimental.pallas import tpu_sc as plsc

NUM_STATES = 16
NUM_ACTIONS = 8
BATCH = 16384
OBS_DIM = 4

NC = 1
NS = 16
L = 16
NW = NC * NS
B_PER_W = BATCH // NW
CBLK = BATCH // 128
CB_PER_W = B_PER_W // 128
GROUPS = B_PER_W // L


def _body(obs_hbm, table_hbm, out_hbm, idx_v, tab_v, out_v, sem1, sem2):
    wid = lax.axis_index("s") * NC + lax.axis_index("c")

    c1 = pltpu.make_async_copy(
        obs_hbm.at[pl.ds(wid * CB_PER_W, CB_PER_W), pl.ds(0, 1)], idx_v, sem1
    )
    c2 = pltpu.make_async_copy(table_hbm, tab_v, sem2)
    c1.start()
    c2.start()
    c2.wait()

    lanes = lax.iota(jnp.int32, L)
    cols = [plsc.load_gather(tab_v, [lanes * NUM_ACTIONS + j])
            for j in range(NUM_ACTIONS)]
    c1.wait()

    def group(g, _):
        cb = g // (128 // L)
        lo = (g % (128 // L)) * L
        states = idx_v[cb, 0, pl.ds(lo, L)]
        for j in range(NUM_ACTIONS):
            out_v[cb, j, pl.ds(lo, L)] = jnp.take_along_axis(
                cols[j], states, axis=0
            )
        return _

    lax.fori_loop(0, GROUPS, group, 0, unroll=2)

    pltpu.sync_copy(out_v, out_hbm.at[pl.ds(wid * CB_PER_W, CB_PER_W)])


_mesh = plsc.VectorSubcoreMesh(
    core_axis_name="c", subcore_axis_name="s", num_cores=NC, num_subcores=NS
)
_lookup = pl.kernel(
    _body,
    out_type=jax.ShapeDtypeStruct((CBLK, NUM_ACTIONS, 128), jnp.float32),
    mesh=_mesh,
    scratch_types=[
        pltpu.VMEM((CB_PER_W, 1, 128), jnp.int32),
        pltpu.VMEM((NUM_STATES * NUM_ACTIONS,), jnp.float32),
        pltpu.VMEM((CB_PER_W, NUM_ACTIONS, 128), jnp.float32),
        pltpu.SemaphoreType.DMA,
        pltpu.SemaphoreType.DMA,
    ],
    compiler_params=pltpu.CompilerParams(
        needs_layout_passes=False,
        use_tc_tiling_on_sc=False,
    ),
)


@jax.jit
def kernel(obs, table):
    obs_view = obs.T.reshape(OBS_DIM, CBLK, 128).transpose(1, 0, 2)
    a = _lookup(obs_view, table.reshape(NUM_STATES * NUM_ACTIONS))
    return a.transpose(1, 0, 2).reshape(NUM_ACTIONS, BATCH).T

# --- scband reference (transcript-rebuilt; emitter-appended) ---
"""Pipeline reference for scband-lookup-net-90623809946403 (READ-ONLY COPY).

The authoritative reference and input builder live on the scoring server;
editing this copy changes nothing except your own understanding.
"""

import jax, jax.numpy as jnp
import numpy as np

NUM_STATES = 16
NUM_ACTIONS = 8
BATCH = 16384
OBS_DIM = 4


def setup_inputs(seed: int = 0) -> dict:
    key = jax.random.key(seed)
    obs = jax.random.randint(key, (BATCH, OBS_DIM), 0, NUM_STATES).astype(jnp.int32)
    # q_by_state dict materialized as a dense table: row s = [s + 0.1*j for j in range(8)]
    table = (jnp.arange(NUM_STATES, dtype=jnp.float32)[:, None]
             + jnp.arange(NUM_ACTIONS, dtype=jnp.float32)[None, :] * 0.1)
    return {"obs": obs, "table": table}


def reference(obs, table):
    # obs[:, 0] holds the (integer-valued) state id; original code does
    # int(round(float(state))) then dict lookup -> equivalent to a row gather.
    states = jnp.round(obs[:, 0].astype(jnp.float32)).astype(jnp.int32)
    return jnp.take(table, states, axis=0)

if __name__ == "__main__":
    import jax
    _d = setup_inputs()
    print(jax.jit(kernel)(*tuple(_d.values())))

</pallas_src>

<mosaic_0001>
#map = affine_map<(d0, d1) -> (0, 0, 0)>
#map1 = affine_map<(d0, d1) -> (0)>
module attributes {stable_mosaic.version = 14 : i64} {
  func.func @_body(%arg0: i32, %arg1: i32, %arg2: memref<128x4x128xi32, #tpu.memory_space<hbm>>, %arg3: memref<128xf32, #tpu.memory_space<hbm>>, %arg4: memref<128x8x128xf32, #tpu.memory_space<hbm>>, %arg5: memref<8x1x128xi32, #tpu.memory_space<vmem>>, %arg6: memref<128xf32, #tpu.memory_space<vmem>>, %arg7: memref<8x8x128xf32, #tpu.memory_space<vmem>>, %arg8: memref<!tpu.dma_semaphore, #tpu.memory_space<semaphore_mem>>, %arg9: memref<!tpu.dma_semaphore, #tpu.memory_space<semaphore_mem>>) attributes {dimension_semantics = [#tpu.dimension_semantics<core_parallel>, #tpu.dimension_semantics<subcore_parallel>], iteration_bounds = array<i64: 1, 16>, scalar_prefetch = 0 : i64, scratch_operands = 5 : i64, tpu.core_type = #tpu.core_type<sc_vector_subcore>, window_params = [{transform_indices = #map}, {transform_indices = #map1}, {transform_indices = #map}]} {
    %mul3A = arith.constant 1 : i32
    %mul3A_0 = arith.muli %arg1, %mul3A : i32
    %add3A = arith.addi %mul3A_0, %arg0 : i32
    %mul3A_1 = arith.constant 8 : i32
    %mul3A_2 = arith.muli %add3A, %mul3A_1 : i32
    %dma_start3A = arith.constant 0 : i32
    %dma_start3A_3 = arith.constant 0 : i32
    %dma_start3A_4 = tpu.memref_slice %arg2[%mul3A_2, %dma_start3A, %dma_start3A_3] : memref<128x4x128xi32, #tpu.memory_space<hbm>> -> memref<8x1x128xi32, #tpu.memory_space<hbm>>
    %dma_start3A_5 = arith.constant 0 : i32
    %dma_start3A_6 = arith.constant 0 : i32
    %dma_start3A_7 = tpu.memref_slice %arg2[%mul3A_2, %dma_start3A_5, %dma_start3A_6] : memref<128x4x128xi32, #tpu.memory_space<hbm>> -> memref<8x1x128xi32, #tpu.memory_space<hbm>>
    tpu.enqueue_dma source(%dma_start3A_7 : memref<8x1x128xi32, #tpu.memory_space<hbm>>) target(%arg5 : memref<8x1x128xi32, #tpu.memory_space<vmem>>) target_semaphore(%arg8 : memref<!tpu.dma_semaphore, #tpu.memory_space<semaphore_mem>>)
    tpu.enqueue_dma source(%arg3 : memref<128xf32, #tpu.memory_space<hbm>>) target(%arg6 : memref<128xf32, #tpu.memory_space<vmem>>) target_semaphore(%arg9 : memref<!tpu.dma_semaphore, #tpu.memory_space<semaphore_mem>>)
    tpu.wait_dma2 semaphore(%arg9 : memref<!tpu.dma_semaphore, #tpu.memory_space<semaphore_mem>>) src(%arg3 : memref<128xf32, #tpu.memory_space<hbm>>) dst(%arg6 : memref<128xf32, #tpu.memory_space<vmem>>)
    %iota3A = tpu.iota {dimensions = array<i32: 0>} : vector<16xi32>
    %mul3A_8 = arith.constant 8 : i32
    %mul3A_9 = vector.broadcast %mul3A_8 : i32 to vector<16xi32>
    %mul3A_10 = arith.muli %iota3A, %mul3A_9 : vector<16xi32>
    %add3A_11 = arith.constant 0 : i32
    %add3A_12 = vector.broadcast %add3A_11 : i32 to vector<16xi32>
    %add3A_13 = arith.addi %mul3A_10, %add3A_12 : vector<16xi32>
    %gather3A = tpu.vector_load_idx %arg6[%add3A_13] : memref<128xf32, #tpu.memory_space<vmem>>[vector<16xi32>], vector<16xf32>,
    %mul3A_14 = arith.constant 8 : i32
    %mul3A_15 = vector.broadcast %mul3A_14 : i32 to vector<16xi32>
    %mul3A_16 = arith.muli %iota3A, %mul3A_15 : vector<16xi32>
    %add3A_17 = arith.constant 1 : i32
    %add3A_18 = vector.broadcast %add3A_17 : i32 to vector<16xi32>
    %add3A_19 = arith.addi %mul3A_16, %add3A_18 : vector<16xi32>
    %gather3A_20 = tpu.vector_load_idx %arg6[%add3A_19] : memref<128xf32, #tpu.memory_space<vmem>>[vector<16xi32>], vector<16xf32>,
    %mul3A_21 = arith.constant 8 : i32
    %mul3A_22 = vector.broadcast %mul3A_21 : i32 to vector<16xi32>
    %mul3A_23 = arith.muli %iota3A, %mul3A_22 : vector<16xi32>
    %add3A_24 = arith.constant 2 : i32
    %add3A_25 = vector.broadcast %add3A_24 : i32 to vector<16xi32>
    %add3A_26 = arith.addi %mul3A_23, %add3A_25 : vector<16xi32>
    %gather3A_27 = tpu.vector_load_idx %arg6[%add3A_26] : memref<128xf32, #tpu.memory_space<vmem>>[vector<16xi32>], vector<16xf32>,
    %mul3A_28 = arith.constant 8 : i32
    %mul3A_29 = vector.broadcast %mul3A_28 : i32 to vector<16xi32>
    %mul3A_30 = arith.muli %iota3A, %mul3A_29 : vector<16xi32>
    %add3A_31 = arith.constant 3 : i32
    %add3A_32 = vector.broadcast %add3A_31 : i32 to vector<16xi32>
    %add3A_33 = arith.addi %mul3A_30, %add3A_32 : vector<16xi32>
    %gather3A_34 = tpu.vector_load_idx %arg6[%add3A_33] : memref<128xf32, #tpu.memory_space<vmem>>[vector<16xi32>], vector<16xf32>,
    %mul3A_35 = arith.constant 8 : i32
    %mul3A_36 = vector.broadcast %mul3A_35 : i32 to vector<16xi32>
    %mul3A_37 = arith.muli %iota3A, %mul3A_36 : vector<16xi32>
    %add3A_38 = arith.constant 4 : i32
    %add3A_39 = vector.broadcast %add3A_38 : i32 to vector<16xi32>
    %add3A_40 = arith.addi %mul3A_37, %add3A_39 : vector<16xi32>
    %gather3A_41 = tpu.vector_load_idx %arg6[%add3A_40] : memref<128xf32, #tpu.memory_space<vmem>>[vector<16xi32>], vector<16xf32>,
    %mul3A_42 = arith.constant 8 : i32
    %mul3A_43 = vector.broadcast %mul3A_42 : i32 to vector<16xi32>
    %mul3A_44 = arith.muli %iota3A, %mul3A_43 : vector<16xi32>
    %add3A_45 = arith.constant 5 : i32
    %add3A_46 = vector.broadcast %add3A_45 : i32 to vector<16xi32>
    %add3A_47 = arith.addi %mul3A_44, %add3A_46 : vector<16xi32>
    %gather3A_48 = tpu.vector_load_idx %arg6[%add3A_47] : memref<128xf32, #tpu.memory_space<vmem>>[vector<16xi32>], vector<16xf32>,
    %mul3A_49 = arith.constant 8 : i32
    %mul3A_50 = vector.broadcast %mul3A_49 : i32 to vector<16xi32>
    %mul3A_51 = arith.muli %iota3A, %mul3A_50 : vector<16xi32>
    %add3A_52 = arith.constant 6 : i32
    %add3A_53 = vector.broadcast %add3A_52 : i32 to vector<16xi32>
    %add3A_54 = arith.addi %mul3A_51, %add3A_53 : vector<16xi32>
    %gather3A_55 = tpu.vector_load_idx %arg6[%add3A_54] : memref<128xf32, #tpu.memory_space<vmem>>[vector<16xi32>], vector<16xf32>,
    %mul3A_56 = arith.constant 8 : i32
    %mul3A_57 = vector.broadcast %mul3A_56 : i32 to vector<16xi32>
    %mul3A_58 = arith.muli %iota3A, %mul3A_57 : vector<16xi32>
    %add3A_59 = arith.constant 7 : i32
    %add3A_60 = vector.broadcast %add3A_59 : i32 to vector<16xi32>
    %add3A_61 = arith.addi %mul3A_58, %add3A_60 : vector<16xi32>
    %gather3A_62 = tpu.vector_load_idx %arg6[%add3A_61] : memref<128xf32, #tpu.memory_space<vmem>>[vector<16xi32>], vector<16xf32>,
    %dma_wait3A = arith.constant 0 : i32
    %dma_wait3A_63 = arith.constant 0 : i32
    %dma_wait3A_64 = tpu.memref_slice %arg2[%mul3A_2, %dma_wait3A, %dma_wait3A_63] : memref<128x4x128xi32, #tpu.memory_space<hbm>> -> memref<8x1x128xi32, #tpu.memory_space<hbm>>
    %dma_wait3A_65 = arith.constant 0 : i32
    %dma_wait3A_66 = arith.constant 0 : i32
    %dma_wait3A_67 = tpu.memref_slice %arg2[%mul3A_2, %dma_wait3A_65, %dma_wait3A_66] : memref<128x4x128xi32, #tpu.memory_space<hbm>> -> memref<8x1x128xi32, #tpu.memory_space<hbm>>
    tpu.wait_dma2 semaphore(%arg8 : memref<!tpu.dma_semaphore, #tpu.memory_space<semaphore_mem>>) src(%dma_wait3A_67 : memref<8x1x128xi32, #tpu.memory_space<hbm>>) dst(%arg5 : memref<8x1x128xi32, #tpu.memory_space<vmem>>)
    %scan3A = arith.constant 0 : i32
    %scan3A_68 = arith.constant 0 : i32
    %scan3A_69 = arith.constant 64 : i32
    %scan3A_70 = arith.addi %scan3A_68, %scan3A_69 : i32
    %scan3A_71 = arith.constant 2 : i32
    scf.for %scan3A_75 = %scan3A_68 to %scan3A_70 step %scan3A_71  : i32 {
      %jit3A = arith.constant 8 : i32
      %div3A = arith.divsi %scan3A_75, %jit3A : i32
      %sign3A = arith.constant 0 : i32
      %sign3A_76 = arith.cmpi sgt, %scan3A_75, %sign3A : i32
      %sign3A_77 = arith.extui %sign3A_76 : i1 to i32
      %sign3A_78 = arith.constant 0 : i32
      %sign3A_79 = arith.cmpi slt, %scan3A_75, %sign3A_78 : i32
      %sign3A_80 = arith.extui %sign3A_79 : i1 to i32
      %sign3A_81 = arith.subi %sign3A_77, %sign3A_80 : i32
      %sign3A_82 = arith.constant 0 : i32
      %sign3A_83 = arith.cmpi sgt, %jit3A, %sign3A_82 : i32
      %sign3A_84 = arith.extui %sign3A_83 : i1 to i32
      %sign3A_85 = arith.constant 0 : i32
      %sign3A_86 = arith.cmpi slt, %jit3A, %sign3A_85 : i32
      %sign3A_87 = arith.extui %sign3A_86 : i1 to i32
      %sign3A_88 = arith.subi %sign3A_84, %sign3A_87 : i32
      %ne3A = arith.cmpi ne, %sign3A_81, %sign3A_88 : i32
      %rem3A = arith.remsi %scan3A_75, %jit3A : i32
      %ne3A_89 = arith.constant 0 : i32
      %ne3A_90 = arith.cmpi ne, %rem3A, %ne3A_89 : i32
      %and3A = arith.andi %ne3A, %ne3A_90 : i1
      %sub3A = arith.constant 1 : i32
      %sub3A_91 = arith.subi %div3A, %sub3A : i32
      %select_n3A = arith.select %and3A, %sub3A_91, %div3A : i32
      %jit3A_92 = arith.constant 8 : i32
      %eq3A = arith.constant 0 : i32
      %eq3A_93 = arith.cmpi eq, %jit3A_92, %eq3A : i32
      %jit3A_94 = arith.constant 1 : i32
      %select_n3A_95 = arith.select %eq3A_93, %jit3A_94, %jit3A_92 : i32
      %rem3A_96 = arith.remsi %scan3A_75, %select_n3A_95 : i32
      %ne3A_97 = arith.constant 0 : i32
      %ne3A_98 = arith.cmpi ne, %rem3A_96, %ne3A_97 : i32
      %lt3A = arith.constant 0 : i32
      %lt3A_99 = arith.cmpi slt, %rem3A_96, %lt3A : i32
      %lt3A_100 = arith.constant 0 : i32
      %lt3A_101 = arith.cmpi slt, %select_n3A_95, %lt3A_100 : i32
      %ne3A_102 = arith.xori %lt3A_99, %lt3A_101 : i1
      %and3A_103 = arith.andi %ne3A_102, %ne3A_98 : i1
      %add3A_104 = arith.addi %rem3A_96, %select_n3A_95 : i32
      %select_n3A_105 = arith.select %and3A_103, %add3A_104, %rem3A_96 : i32
      %mul3A_106 = arith.constant 16 : i32
      %mul3A_107 = arith.muli %select_n3A_105, %mul3A_106 : i32
      %get3A = arith.constant 0 : i32
      %get3A_108 = arith.index_cast %select_n3A : i32 to index
      %get3A_109 = arith.index_cast %get3A : i32 to index
      %get3A_110 = arith.index_cast %mul3A_107 : i32 to index
      %get3A_111 = tpu.vector_load %arg5[%get3A_108, %get3A_109, %get3A_110] {strides = array<i32>} : memref<8x1x128xi32, #tpu.memory_space<vmem>>, vector<16xi32>,
      %lt3A_112 = arith.constant 0 : i32
      %lt3A_113 = vector.broadcast %lt3A_112 : i32 to vector<16xi32>
      %lt3A_114 = arith.cmpi slt, %get3A_111, %lt3A_113 : vector<16xi32>
      %add3A_115 = arith.constant 16 : i32
      %add3A_116 = vector.broadcast %add3A_115 : i32 to vector<16xi32>
      %add3A_117 = arith.addi %get3A_111, %add3A_116 : vector<16xi32>
      %select_n3A_118 = arith.select %lt3A_114, %add3A_117, %get3A_111 : vector<16xi1>, vector<16xi32>
      %reshape3A = vector.shape_cast %select_n3A_118 : vector<16xi32> to vector<16x1xi32>
      %gather3A_119 = vector.shape_cast %reshape3A : vector<16x1xi32> to vector<16xi32>
      %gather3A_120 = tpu.dynamic_gather %gather3A[%gather3A_119] in [0] : vector<16xf32>, vector<16xi32> -> vector<16xf32>
      %swap3A = arith.constant 0 : i32
      %swap3A_121 = arith.index_cast %select_n3A : i32 to index
      %swap3A_122 = arith.index_cast %swap3A : i32 to index
      %swap3A_123 = arith.index_cast %mul3A_107 : i32 to index
      %swap3A_124 = tpu.vector_load %arg7[%swap3A_121, %swap3A_122, %swap3A_123] {strides = array<i32>} : memref<8x8x128xf32, #tpu.memory_space<vmem>>, vector<16xf32>,
      tpu.vector_store %arg7[%swap3A_121, %swap3A_122, %swap3A_123], %gather3A_120 {strides = array<i32>} : memref<8x8x128xf32, #tpu.memory_space<vmem>>, vector<16xf32>,
      %lt3A_125 = arith.constant 0 : i32
      %lt3A_126 = vector.broadcast %lt3A_125 : i32 to vector<16xi32>
      %lt3A_127 = arith.cmpi slt, %get3A_111, %lt3A_126 : vector<16xi32>
      %add3A_128 = arith.constant 16 : i32
      %add3A_129 = vector.broadcast %add3A_128 : i32 to vector<16xi32>
      %add3A_130 = arith.addi %get3A_111, %add3A_129 : vector<16xi32>
      %select_n3A_131 = arith.select %lt3A_127, %add3A_130, %get3A_111 : vector<16xi1>, vector<16xi32>
      %reshape3A_132 = vector.shape_cast %select_n3A_131 : vector<16xi32> to vector<16x1xi32>
      %gather3A_133 = vector.shape_cast %reshape3A_132 : vector<16x1xi32> to vector<16xi32>
      %gather3A_134 = tpu.dynamic_gather %gather3A_20[%gather3A_133] in [0] : vector<16xf32>, vector<16xi32> -> vector<16xf32>
      %swap3A_135 = arith.constant 1 : i32
      %swap3A_136 = arith.index_cast %select_n3A : i32 to index
      %swap3A_137 = arith.index_cast %swap3A_135 : i32 to index
      %swap3A_138 = arith.index_cast %mul3A_107 : i32 to index
      %swap3A_139 = tpu.vector_load %arg7[%swap3A_136, %swap3A_137, %swap3A_138] {strides = array<i32>} : memref<8x8x128xf32, #tpu.memory_space<vmem>>, vector<16xf32>,
      tpu.vector_store %arg7[%swap3A_136, %swap3A_137, %swap3A_138], %gather3A_134 {strides = array<i32>} : memref<8x8x128xf32, #tpu.memory_space<vmem>>, vector<16xf32>,
      %lt3A_140 = arith.constant 0 : i32
      %lt3A_141 = vector.broadcast %lt3A_140 : i32 to vector<16xi32>
      %lt3A_142 = arith.cmpi slt, %get3A_111, %lt3A_141 : vector<16xi32>
      %add3A_143 = arith.constant 16 : i32
      %add3A_144 = vector.broadcast %add3A_143 : i32 to vector<16xi32>
      %add3A_145 = arith.addi %get3A_111, %add3A_144 : vector<16xi32>
      %select_n3A_146 = arith.select %lt3A_142, %add3A_145, %get3A_111 : vector<16xi1>, vector<16xi32>
      %reshape3A_147 = vector.shape_cast %select_n3A_146 : vector<16xi32> to vector<16x1xi32>
      %gather3A_148 = vector.shape_cast %reshape3A_147 : vector<16x1xi32> to vector<16xi32>
      %gather3A_149 = tpu.dynamic_gather %gather3A_27[%gather3A_148] in [0] : vector<16xf32>, vector<16xi32> -> vector<16xf32>
      %swap3A_150 = arith.constant 2 : i32
      %swap3A_151 = arith.index_cast %select_n3A : i32 to index
      %swap3A_152 = arith.index_cast %swap3A_150 : i32 to index
      %swap3A_153 = arith.index_cast %mul3A_107 : i32 to index
      %swap3A_154 = tpu.vector_load %arg7[%swap3A_151, %swap3A_152, %swap3A_153] {strides = array<i32>} : memref<8x8x128xf32, #tpu.memory_space<vmem>>, vector<16xf32>,
      tpu.vector_store %arg7[%swap3A_151, %swap3A_152, %swap3A_153], %gather3A_149 {strides = array<i32>} : memref<8x8x128xf32, #tpu.memory_space<vmem>>, vector<16xf32>,
      %lt3A_155 = arith.constant 0 : i32
      %lt3A_156 = vector.broadcast %lt3A_155 : i32 to vector<16xi32>
      %lt3A_157 = arith.cmpi slt, %get3A_111, %lt3A_156 : vector<16xi32>
      %add3A_158 = arith.constant 16 : i32
      %add3A_159 = vector.broadcast %add3A_158 : i32 to vector<16xi32>
      %add3A_160 = arith.addi %get3A_111, %add3A_159 : vector<16xi32>
      %select_n3A_161 = arith.select %lt3A_157, %add3A_160, %get3A_111 : vector<16xi1>, vector<16xi32>
      %reshape3A_162 = vector.shape_cast %select_n3A_161 : vector<16xi32> to vector<16x1xi32>
      %gather3A_163 = vector.shape_cast %reshape3A_162 : vector<16x1xi32> to vector<16xi32>
      %gather3A_164 = tpu.dynamic_gather %gather3A_34[%gather3A_163] in [0] : vector<16xf32>, vector<16xi32> -> vector<16xf32>
      %swap3A_165 = arith.constant 3 : i32
      %swap3A_166 = arith.index_cast %select_n3A : i32 to index
      %swap3A_167 = arith.index_cast %swap3A_165 : i32 to index
      %swap3A_168 = arith.index_cast %mul3A_107 : i32 to index
      %swap3A_169 = tpu.vector_load %arg7[%swap3A_166, %swap3A_167, %swap3A_168] {strides = array<i32>} : memref<8x8x128xf32, #tpu.memory_space<vmem>>, vector<16xf32>,
      tpu.vector_store %arg7[%swap3A_166, %swap3A_167, %swap3A_168], %gather3A_164 {strides = array<i32>} : memref<8x8x128xf32, #tpu.memory_space<vmem>>, vector<16xf32>,
      %lt3A_170 = arith.constant 0 : i32
      %lt3A_171 = vector.broadcast %lt3A_170 : i32 to vector<16xi32>
      %lt3A_172 = arith.cmpi slt, %get3A_111, %lt3A_171 : vector<16xi32>
      %add3A_173 = arith.constant 16 : i32
      %add3A_174 = vector.broadcast %add3A_173 : i32 to vector<16xi32>
      %add3A_175 = arith.addi %get3A_111, %add3A_174 : vector<16xi32>
      %select_n3A_176 = arith.select %lt3A_172, %add3A_175, %get3A_111 : vector<16xi1>, vector<16xi32>
      %reshape3A_177 = vector.shape_cast %select_n3A_176 : vector<16xi32> to vector<16x1xi32>
      %gather3A_178 = vector.shape_cast %reshape3A_177 : vector<16x1xi32> to vector<16xi32>
      %gather3A_179 = tpu.dynamic_gather %gather3A_41[%gather3A_178] in [0] : vector<16xf32>, vector<16xi32> -> vector<16xf32>
      %swap3A_180 = arith.constant 4 : i32
      %swap3A_181 = arith.index_cast %select_n3A : i32 to index
      %swap3A_182 = arith.index_cast %swap3A_180 : i32 to index
      %swap3A_183 = arith.index_cast %mul3A_107 : i32 to index
      %swap3A_184 = tpu.vector_load %arg7[%swap3A_181, %swap3A_182, %swap3A_183] {strides = array<i32>} : memref<8x8x128xf32, #tpu.memory_space<vmem>>, vector<16xf32>,
      tpu.vector_store %arg7[%swap3A_181, %swap3A_182, %swap3A_183], %gather3A_179 {strides = array<i32>} : memref<8x8x128xf32, #tpu.memory_space<vmem>>, vector<16xf32>,
      %lt3A_185 = arith.constant 0 : i32
      %lt3A_186 = vector.broadcast %lt3A_185 : i32 to vector<16xi32>
      %lt3A_187 = arith.cmpi slt, %get3A_111, %lt3A_186 : vector<16xi32>
      %add3A_188 = arith.constant 16 : i32
      %add3A_189 = vector.broadcast %add3A_188 : i32 to vector<16xi32>
      %add3A_190 = arith.addi %get3A_111, %add3A_189 : vector<16xi32>
      %select_n3A_191 = arith.select %lt3A_187, %add3A_190, %get3A_111 : vector<16xi1>, vector<16xi32>
      %reshape3A_192 = vector.shape_cast %select_n3A_191 : vector<16xi32> to vector<16x1xi32>
      %gather3A_193 = vector.shape_cast %reshape3A_192 : vector<16x1xi32> to vector<16xi32>
      %gather3A_194 = tpu.dynamic_gather %gather3A_48[%gather3A_193] in [0] : vector<16xf32>, vector<16xi32> -> vector<16xf32>
      %swap3A_195 = arith.constant 5 : i32
      %swap3A_196 = arith.index_cast %select_n3A : i32 to index
      %swap3A_197 = arith.index_cast %swap3A_195 : i32 to index
      %swap3A_198 = arith.index_cast %mul3A_107 : i32 to index
      %swap3A_199 = tpu.vector_load %arg7[%swap3A_196, %swap3A_197, %swap3A_198] {strides = array<i32>} : memref<8x8x128xf32, #tpu.memory_space<vmem>>, vector<16xf32>,
      tpu.vector_store %arg7[%swap3A_196, %swap3A_197, %swap3A_198], %gather3A_194 {strides = array<i32>} : memref<8x8x128xf32, #tpu.memory_space<vmem>>, vector<16xf32>,
      %lt3A_200 = arith.constant 0 : i32
      %lt3A_201 = vector.broadcast %lt3A_200 : i32 to vector<16xi32>
      %lt3A_202 = arith.cmpi slt, %get3A_111, %lt3A_201 : vector<16xi32>
      %add3A_203 = arith.constant 16 : i32
      %add3A_204 = vector.broadcast %add3A_203 : i32 to vector<16xi32>
      %add3A_205 = arith.addi %get3A_111, %add3A_204 : vector<16xi32>
      %select_n3A_206 = arith.select %lt3A_202, %add3A_205, %get3A_111 : vector<16xi1>, vector<16xi32>
      %reshape3A_207 = vector.shape_cast %select_n3A_206 : vector<16xi32> to vector<16x1xi32>
      %gather3A_208 = vector.shape_cast %reshape3A_207 : vector<16x1xi32> to vector<16xi32>
      %gather3A_209 = tpu.dynamic_gather %gather3A_55[%gather3A_208] in [0] : vector<16xf32>, vector<16xi32> -> vector<16xf32>
      %swap3A_210 = arith.constant 6 : i32
      %swap3A_211 = arith.index_cast %select_n3A : i32 to index
      %swap3A_212 = arith.index_cast %swap3A_210 : i32 to index
      %swap3A_213 = arith.index_cast %mul3A_107 : i32 to index
      %swap3A_214 = tpu.vector_load %arg7[%swap3A_211, %swap3A_212, %swap3A_213] {strides = array<i32>} : memref<8x8x128xf32, #tpu.memory_space<vmem>>, vector<16xf32>,
      tpu.vector_store %arg7[%swap3A_211, %swap3A_212, %swap3A_213], %gather3A_209 {strides = array<i32>} : memref<8x8x128xf32, #tpu.memory_space<vmem>>, vector<16xf32>,
      %lt3A_215 = arith.constant 0 : i32
      %lt3A_216 = vector.broadcast %lt3A_215 : i32 to vector<16xi32>
      %lt3A_217 = arith.cmpi slt, %get3A_111, %lt3A_216 : vector<16xi32>
      %add3A_218 = arith.constant 16 : i32
      %add3A_219 = vector.broadcast %add3A_218 : i32 to vector<16xi32>
      %add3A_220 = arith.addi %get3A_111, %add3A_219 : vector<16xi32>
      %select_n3A_221 = arith.select %lt3A_217, %add3A_220, %get3A_111 : vector<16xi1>, vector<16xi32>
      %reshape3A_222 = vector.shape_cast %select_n3A_221 : vector<16xi32> to vector<16x1xi32>
      %gather3A_223 = vector.shape_cast %reshape3A_222 : vector<16x1xi32> to vector<16xi32>
      %gather3A_224 = tpu.dynamic_gather %gather3A_62[%gather3A_223] in [0] : vector<16xf32>, vector<16xi32> -> vector<16xf32>
      %swap3A_225 = arith.constant 7 : i32
      %swap3A_226 = arith.index_cast %select_n3A : i32 to index
      %swap3A_227 = arith.index_cast %swap3A_225 : i32 to index
      %swap3A_228 = arith.index_cast %mul3A_107 : i32 to index
      %swap3A_229 = tpu.vector_load %arg7[%swap3A_226, %swap3A_227, %swap3A_228] {strides = array<i32>} : memref<8x8x128xf32, #tpu.memory_space<vmem>>, vector<16xf32>,
      tpu.vector_store %arg7[%swap3A_226, %swap3A_227, %swap3A_228], %gather3A_224 {strides = array<i32>} : memref<8x8x128xf32, #tpu.memory_space<vmem>>, vector<16xf32>,
      %scan3A_230 = arith.constant 1 : i32
      %scan3A_231 = arith.addi %scan3A_75, %scan3A_230 : i32
      %jit3A_232 = arith.constant 8 : i32
      %div3A_233 = arith.divsi %scan3A_231, %jit3A_232 : i32
      %sign3A_234 = arith.constant 0 : i32
      %sign3A_235 = arith.cmpi sgt, %scan3A_231, %sign3A_234 : i32
      %sign3A_236 = arith.extui %sign3A_235 : i1 to i32
      %sign3A_237 = arith.constant 0 : i32
      %sign3A_238 = arith.cmpi slt, %scan3A_231, %sign3A_237 : i32
      %sign3A_239 = arith.extui %sign3A_238 : i1 to i32
      %sign3A_240 = arith.subi %sign3A_236, %sign3A_239 : i32
      %sign3A_241 = arith.constant 0 : i32
      %sign3A_242 = arith.cmpi sgt, %jit3A_232, %sign3A_241 : i32
      %sign3A_243 = arith.extui %sign3A_242 : i1 to i32
      %sign3A_244 = arith.constant 0 : i32
      %sign3A_245 = arith.cmpi slt, %jit3A_232, %sign3A_244 : i32
      %sign3A_246 = arith.extui %sign3A_245 : i1 to i32
      %sign3A_247 = arith.subi %sign3A_243, %sign3A_246 : i32
      %ne3A_248 = arith.cmpi ne, %sign3A_240, %sign3A_247 : i32
      %rem3A_249 = arith.remsi %scan3A_231, %jit3A_232 : i32
      %ne3A_250 = arith.constant 0 : i32
      %ne3A_251 = arith.cmpi ne, %rem3A_249, %ne3A_250 : i32
      %and3A_252 = arith.andi %ne3A_248, %ne3A_251 : i1
      %sub3A_253 = arith.constant 1 : i32
      %sub3A_254 = arith.subi %div3A_233, %sub3A_253 : i32
      %select_n3A_255 = arith.select %and3A_252, %sub3A_254, %div3A_233 : i32
      %jit3A_256 = arith.constant 8 : i32
      %eq3A_257 = arith.constant 0 : i32
      %eq3A_258 = arith.cmpi eq, %jit3A_256, %eq3A_257 : i32
      %jit3A_259 = arith.constant 1 : i32
      %select_n3A_260 = arith.select %eq3A_258, %jit3A_259, %jit3A_256 : i32
      %rem3A_261 = arith.remsi %scan3A_231, %select_n3A_260 : i32
      %ne3A_262 = arith.constant 0 : i32
      %ne3A_263 = arith.cmpi ne, %rem3A_261, %ne3A_262 : i32
      %lt3A_264 = arith.constant 0 : i32
      %lt3A_265 = arith.cmpi slt, %rem3A_261, %lt3A_264 : i32
      %lt3A_266 = arith.constant 0 : i32
      %lt3A_267 = arith.cmpi slt, %select_n3A_260, %lt3A_266 : i32
      %ne3A_268 = arith.xori %lt3A_265, %lt3A_267 : i1
      %and3A_269 = arith.andi %ne3A_268, %ne3A_263 : i1
      %add3A_270 = arith.addi %rem3A_261, %select_n3A_260 : i32
      %select_n3A_271 = arith.select %and3A_269, %add3A_270, %rem3A_261 : i32
      %mul3A_272 = arith.constant 16 : i32
      %mul3A_273 = arith.muli %select_n3A_271, %mul3A_272 : i32
      %get3A_274 = arith.constant 0 : i32
      %get3A_275 = arith.index_cast %select_n3A_255 : i32 to index
      %get3A_276 = arith.index_cast %get3A_274 : i32 to index
      %get3A_277 = arith.index_cast %mul3A_273 : i32 to index
      %get3A_278 = tpu.vector_load %arg5[%get3A_275, %get3A_276, %get3A_277] {strides = array<i32>} : memref<8x1x128xi32, #tpu.memory_space<vmem>>, vector<16xi32>,
      %lt3A_279 = arith.constant 0 : i32
      %lt3A_280 = vector.broadcast %lt3A_279 : i32 to vector<16xi32>
      %lt3A_281 = arith.cmpi slt, %get3A_278, %lt3A_280 : vector<16xi32>
      %add3A_282 = arith.constant 16 : i32
      %add3A_283 = vector.broadcast %add3A_282 : i32 to vector<16xi32>
      %add3A_284 = arith.addi %get3A_278, %add3A_283 : vector<16xi32>
      %select_n3A_285 = arith.select %lt3A_281, %add3A_284, %get3A_278 : vector<16xi1>, vector<16xi32>
      %reshape3A_286 = vector.shape_cast %select_n3A_285 : vector<16xi32> to vector<16x1xi32>
      %gather3A_287 = vector.shape_cast %reshape3A_286 : vector<16x1xi32> to vector<16xi32>
      %gather3A_288 = tpu.dynamic_gather %gather3A[%gather3A_287] in [0] : vector<16xf32>, vector<16xi32> -> vector<16xf32>
      %swap3A_289 = arith.constant 0 : i32
      %swap3A_290 = arith.index_cast %select_n3A_255 : i32 to index
      %swap3A_291 = arith.index_cast %swap3A_289 : i32 to index
      %swap3A_292 = arith.index_cast %mul3A_273 : i32 to index
      %swap3A_293 = tpu.vector_load %arg7[%swap3A_290, %swap3A_291, %swap3A_292] {strides = array<i32>} : memref<8x8x128xf32, #tpu.memory_space<vmem>>, vector<16xf32>,
      tpu.vector_store %arg7[%swap3A_290, %swap3A_291, %swap3A_292], %gather3A_288 {strides = array<i32>} : memref<8x8x128xf32, #tpu.memory_space<vmem>>, vector<16xf32>,
      %lt3A_294 = arith.constant 0 : i32
      %lt3A_295 = vector.broadcast %lt3A_294 : i32 to vector<16xi32>
      %lt3A_296 = arith.cmpi slt, %get3A_278, %lt3A_295 : vector<16xi32>
      %add3A_297 = arith.constant 16 : i32
      %add3A_298 = vector.broadcast %add3A_297 : i32 to vector<16xi32>
      %add3A_299 = arith.addi %get3A_278, %add3A_298 : vector<16xi32>
      %select_n3A_300 = arith.select %lt3A_296, %add3A_299, %get3A_278 : vector<16xi1>, vector<16xi32>
      %reshape3A_301 = vector.shape_cast %select_n3A_300 : vector<16xi32> to vector<16x1xi32>
      %gather3A_302 = vector.shape_cast %reshape3A_301 : vector<16x1xi32> to vector<16xi32>
      %gather3A_303 = tpu.dynamic_gather %gather3A_20[%gather3A_302] in [0] : vector<16xf32>, vector<16xi32> -> vector<16xf32>
      %swap3A_304 = arith.constant 1 : i32
      %swap3A_305 = arith.index_cast %select_n3A_255 : i32 to index
      %swap3A_306 = arith.index_cast %swap3A_304 : i32 to index
      %swap3A_307 = arith.index_cast %mul3A_273 : i32 to index
      %swap3A_308 = tpu.vector_load %arg7[%swap3A_305, %swap3A_306, %swap3A_307] {strides = array<i32>} : memref<8x8x128xf32, #tpu.memory_space<vmem>>, vector<16xf32>,
      tpu.vector_store %arg7[%swap3A_305, %swap3A_306, %swap3A_307], %gather3A_303 {strides = array<i32>} : memref<8x8x128xf32, #tpu.memory_space<vmem>>, vector<16xf32>,
      %lt3A_309 = arith.constant 0 : i32
      %lt3A_310 = vector.broadcast %lt3A_309 : i32 to vector<16xi32>
      %lt3A_311 = arith.cmpi slt, %get3A_278, %lt3A_310 : vector<16xi32>
      %add3A_312 = arith.constant 16 : i32
      %add3A_313 = vector.broadcast %add3A_312 : i32 to vector<16xi32>
      %add3A_314 = arith.addi %get3A_278, %add3A_313 : vector<16xi32>
      %select_n3A_315 = arith.select %lt3A_311, %add3A_314, %get3A_278 : vector<16xi1>, vector<16xi32>
      %reshape3A_316 = vector.shape_cast %select_n3A_315 : vector<16xi32> to vector<16x1xi32>
      %gather3A_317 = vector.shape_cast %reshape3A_316 : vector<16x1xi32> to vector<16xi32>
      %gather3A_318 = tpu.dynamic_gather %gather3A_27[%gather3A_317] in [0] : vector<16xf32>, vector<16xi32> -> vector<16xf32>
      %swap3A_319 = arith.constant 2 : i32
      %swap3A_320 = arith.index_cast %select_n3A_255 : i32 to index
      %swap3A_321 = arith.index_cast %swap3A_319 : i32 to index
      %swap3A_322 = arith.index_cast %mul3A_273 : i32 to index
      %swap3A_323 = tpu.vector_load %arg7[%swap3A_320, %swap3A_321, %swap3A_322] {strides = array<i32>} : memref<8x8x128xf32, #tpu.memory_space<vmem>>, vector<16xf32>,
      tpu.vector_store %arg7[%swap3A_320, %swap3A_321, %swap3A_322], %gather3A_318 {strides = array<i32>} : memref<8x8x128xf32, #tpu.memory_space<vmem>>, vector<16xf32>,
      %lt3A_324 = arith.constant 0 : i32
      %lt3A_325 = vector.broadcast %lt3A_324 : i32 to vector<16xi32>
      %lt3A_326 = arith.cmpi slt, %get3A_278, %lt3A_325 : vector<16xi32>
      %add3A_327 = arith.constant 16 : i32
      %add3A_328 = vector.broadcast %add3A_327 : i32 to vector<16xi32>
      %add3A_329 = arith.addi %get3A_278, %add3A_328 : vector<16xi32>
      %select_n3A_330 = arith.select %lt3A_326, %add3A_329, %get3A_278 : vector<16xi1>, vector<16xi32>
      %reshape3A_331 = vector.shape_cast %select_n3A_330 : vector<16xi32> to vector<16x1xi32>
      %gather3A_332 = vector.shape_cast %reshape3A_331 : vector<16x1xi32> to vector<16xi32>
      %gather3A_333 = tpu.dynamic_gather %gather3A_34[%gather3A_332] in [0] : vector<16xf32>, vector<16xi32> -> vector<16xf32>
      %swap3A_334 = arith.constant 3 : i32
      %swap3A_335 = arith.index_cast %select_n3A_255 : i32 to index
      %swap3A_336 = arith.index_cast %swap3A_334 : i32 to index
      %swap3A_337 = arith.index_cast %mul3A_273 : i32 to index
      %swap3A_338 = tpu.vector_load %arg7[%swap3A_335, %swap3A_336, %swap3A_337] {strides = array<i32>} : memref<8x8x128xf32, #tpu.memory_space<vmem>>, vector<16xf32>,
      tpu.vector_store %arg7[%swap3A_335, %swap3A_336, %swap3A_337], %gather3A_333 {strides = array<i32>} : memref<8x8x128xf32, #tpu.memory_space<vmem>>, vector<16xf32>,
      %lt3A_339 = arith.constant 0 : i32
      %lt3A_340 = vector.broadcast %lt3A_339 : i32 to vector<16xi32>
      %lt3A_341 = arith.cmpi slt, %get3A_278, %lt3A_340 : vector<16xi32>
      %add3A_342 = arith.constant 16 : i32
      %add3A_343 = vector.broadcast %add3A_342 : i32 to vector<16xi32>
      %add3A_344 = arith.addi %get3A_278, %add3A_343 : vector<16xi32>
      %select_n3A_345 = arith.select %lt3A_341, %add3A_344, %get3A_278 : vector<16xi1>, vector<16xi32>
      %reshape3A_346 = vector.shape_cast %select_n3A_345 : vector<16xi32> to vector<16x1xi32>
      %gather3A_347 = vector.shape_cast %reshape3A_346 : vector<16x1xi32> to vector<16xi32>
      %gather3A_348 = tpu.dynamic_gather %gather3A_41[%gather3A_347] in [0] : vector<16xf32>, vector<16xi32> -> vector<16xf32>
      %swap3A_349 = arith.constant 4 : i32
      %swap3A_350 = arith.index_cast %select_n3A_255 : i32 to index
      %swap3A_351 = arith.index_cast %swap3A_349 : i32 to index
      %swap3A_352 = arith.index_cast %mul3A_273 : i32 to index
      %swap3A_353 = tpu.vector_load %arg7[%swap3A_350, %swap3A_351, %swap3A_352] {strides = array<i32>} : memref<8x8x128xf32, #tpu.memory_space<vmem>>, vector<16xf32>,
      tpu.vector_store %arg7[%swap3A_350, %swap3A_351, %swap3A_352], %gather3A_348 {strides = array<i32>} : memref<8x8x128xf32, #tpu.memory_space<vmem>>, vector<16xf32>,
      %lt3A_354 = arith.constant 0 : i32
      %lt3A_355 = vector.broadcast %lt3A_354 : i32 to vector<16xi32>
      %lt3A_356 = arith.cmpi slt, %get3A_278, %lt3A_355 : vector<16xi32>
      %add3A_357 = arith.constant 16 : i32
      %add3A_358 = vector.broadcast %add3A_357 : i32 to vector<16xi32>
      %add3A_359 = arith.addi %get3A_278, %add3A_358 : vector<16xi32>
      %select_n3A_360 = arith.select %lt3A_356, %add3A_359, %get3A_278 : vector<16xi1>, vector<16xi32>
      %reshape3A_361 = vector.shape_cast %select_n3A_360 : vector<16xi32> to vector<16x1xi32>
      %gather3A_362 = vector.shape_cast %reshape3A_361 : vector<16x1xi32> to vector<16xi32>
      %gather3A_363 = tpu.dynamic_gather %gather3A_48[%gather3A_362] in [0] : vector<16xf32>, vector<16xi32> -> vector<16xf32>
      %swap3A_364 = arith.constant 5 : i32
      %swap3A_365 = arith.index_cast %select_n3A_255 : i32 to index
      %swap3A_366 = arith.index_cast %swap3A_364 : i32 to index
      %swap3A_367 = arith.index_cast %mul3A_273 : i32 to index
      %swap3A_368 = tpu.vector_load %arg7[%swap3A_365, %swap3A_366, %swap3A_367] {strides = array<i32>} : memref<8x8x128xf32, #tpu.memory_space<vmem>>, vector<16xf32>,
      tpu.vector_store %arg7[%swap3A_365, %swap3A_366, %swap3A_367], %gather3A_363 {strides = array<i32>} : memref<8x8x128xf32, #tpu.memory_space<vmem>>, vector<16xf32>,
      %lt3A_369 = arith.constant 0 : i32
      %lt3A_370 = vector.broadcast %lt3A_369 : i32 to vector<16xi32>
      %lt3A_371 = arith.cmpi slt, %get3A_278, %lt3A_370 : vector<16xi32>
      %add3A_372 = arith.constant 16 : i32
      %add3A_373 = vector.broadcast %add3A_372 : i32 to vector<16xi32>
      %add3A_374 = arith.addi %get3A_278, %add3A_373 : vector<16xi32>
      %select_n3A_375 = arith.select %lt3A_371, %add3A_374, %get3A_278 : vector<16xi1>, vector<16xi32>
      %reshape3A_376 = vector.shape_cast %select_n3A_375 : vector<16xi32> to vector<16x1xi32>
      %gather3A_377 = vector.shape_cast %reshape3A_376 : vector<16x1xi32> to vector<16xi32>
      %gather3A_378 = tpu.dynamic_gather %gather3A_55[%gather3A_377] in [0] : vector<16xf32>, vector<16xi32> -> vector<16xf32>
      %swap3A_379 = arith.constant 6 : i32
      %swap3A_380 = arith.index_cast %select_n3A_255 : i32 to index
      %swap3A_381 = arith.index_cast %swap3A_379 : i32 to index
      %swap3A_382 = arith.index_cast %mul3A_273 : i32 to index
      %swap3A_383 = tpu.vector_load %arg7[%swap3A_380, %swap3A_381, %swap3A_382] {strides = array<i32>} : memref<8x8x128xf32, #tpu.memory_space<vmem>>, vector<16xf32>,
      tpu.vector_store %arg7[%swap3A_380, %swap3A_381, %swap3A_382], %gather3A_378 {strides = array<i32>} : memref<8x8x128xf32, #tpu.memory_space<vmem>>, vector<16xf32>,
      %lt3A_384 = arith.constant 0 : i32
      %lt3A_385 = vector.broadcast %lt3A_384 : i32 to vector<16xi32>
      %lt3A_386 = arith.cmpi slt, %get3A_278, %lt3A_385 : vector<16xi32>
      %add3A_387 = arith.constant 16 : i32
      %add3A_388 = vector.broadcast %add3A_387 : i32 to vector<16xi32>
      %add3A_389 = arith.addi %get3A_278, %add3A_388 : vector<16xi32>
      %select_n3A_390 = arith.select %lt3A_386, %add3A_389, %get3A_278 : vector<16xi1>, vector<16xi32>
      %reshape3A_391 = vector.shape_cast %select_n3A_390 : vector<16xi32> to vector<16x1xi32>
      %gather3A_392 = vector.shape_cast %reshape3A_391 : vector<16x1xi32> to vector<16xi32>
      %gather3A_393 = tpu.dynamic_gather %gather3A_62[%gather3A_392] in [0] : vector<16xf32>, vector<16xi32> -> vector<16xf32>
      %swap3A_394 = arith.constant 7 : i32
      %swap3A_395 = arith.index_cast %select_n3A_255 : i32 to index
      %swap3A_396 = arith.index_cast %swap3A_394 : i32 to index
      %swap3A_397 = arith.index_cast %mul3A_273 : i32 to index
      %swap3A_398 = tpu.vector_load %arg7[%swap3A_395, %swap3A_396, %swap3A_397] {strides = array<i32>} : memref<8x8x128xf32, #tpu.memory_space<vmem>>, vector<16xf32>,
      tpu.vector_store %arg7[%swap3A_395, %swap3A_396, %swap3A_397], %gather3A_393 {strides = array<i32>} : memref<8x8x128xf32, #tpu.memory_space<vmem>>, vector<16xf32>,
    }
    %scan3A_72 = arith.constant 64 : i32
    %mul3A_73 = arith.constant 8 : i32
    %mul3A_74 = arith.muli %add3A, %mul3A_73 : i32
    "tpu.region"() ({
      %run_scoped3A = tpu.sem_alloc : memref<!tpu.dma_semaphore, #tpu.memory_space<semaphore_mem>>
      %dma_start3A_75 = arith.constant 0 : i32
      %dma_start3A_76 = arith.constant 0 : i32
      %dma_start3A_77 = tpu.memref_slice %arg4[%mul3A_74, %dma_start3A_75, %dma_start3A_76] : memref<128x8x128xf32, #tpu.memory_space<hbm>> -> memref<8x8x128xf32, #tpu.memory_space<hbm>>
      %dma_start3A_78 = arith.constant 0 : i32
      %dma_start3A_79 = arith.constant 0 : i32
      %dma_start3A_80 = tpu.memref_slice %arg4[%mul3A_74, %dma_start3A_78, %dma_start3A_79] : memref<128x8x128xf32, #tpu.memory_space<hbm>> -> memref<8x8x128xf32, #tpu.memory_space<hbm>>
      tpu.enqueue_dma source(%arg7 : memref<8x8x128xf32, #tpu.memory_space<vmem>>) target(%dma_start3A_80 : memref<8x8x128xf32, #tpu.memory_space<hbm>>) target_semaphore(%run_scoped3A : memref<!tpu.dma_semaphore, #tpu.memory_space<semaphore_mem>>)
      %dma_wait3A_81 = arith.constant 0 : i32
      %dma_wait3A_82 = arith.constant 0 : i32
      %dma_wait3A_83 = tpu.memref_slice %arg4[%mul3A_74, %dma_wait3A_81, %dma_wait3A_82] : memref<128x8x128xf32, #tpu.memory_space<hbm>> -> memref<8x8x128xf32, #tpu.memory_space<hbm>>
      %dma_wait3A_84 = arith.constant 0 : i32
      %dma_wait3A_85 = arith.constant 0 : i32
      %dma_wait3A_86 = tpu.memref_slice %arg4[%mul3A_74, %dma_wait3A_84, %dma_wait3A_85] : memref<128x8x128xf32, #tpu.memory_space<hbm>> -> memref<8x8x128xf32, #tpu.memory_space<hbm>>
      tpu.wait_dma2 semaphore(%run_scoped3A : memref<!tpu.dma_semaphore, #tpu.memory_space<semaphore_mem>>) src(%arg7 : memref<8x8x128xf32, #tpu.memory_space<vmem>>) dst(%dma_wait3A_86 : memref<8x8x128xf32, #tpu.memory_space<hbm>>)
      tpu.yield
    }) : () -> ()
    return
  }
}

</mosaic_0001>

<sc_bundles>
// kernel: kernel.3.cloned.1.call-start
scs
__scs_entry_jumppad:
0x0: {  	(pc) =	sbr.rel $0x88, $3  }
0x1: {  	(tag) =	ssettag $0x0;
	lr =	simm.s32 $0x1  }
0x2: {  	[smem:$0x3F9F] =	sst lr;
	_ =	strace $0xD0000000  }
0x3: {  	_ = 	snop  }
0x4: {  	_ = 	snop  }
0x5: {  	_ = 	snop  }
0x6: {  	_ = 	snop  }
0x7: {  	_ = 	snop  }
__scs_overlays_trampoline_lowered:
0x8: {  	[smem:$0x3FAE] =	sst s0  }
0x9: {  	[smem:$0x3FAF] =	sst s1  }
0xa: {  	[smem:$0x3FB0] =	sst s2  }
0xb: {  	[smem:$0x3FB1] =	sst s3  }
0xc: {  	[smem:$0x3FB2] =	sst s4  }
0xd: {  	[smem:$0x3FB3] =	sst s5  }
0xe: {  	[smem:$0x3FB4] =	sst s6  }
0xf: {  	[smem:$0x3FB5] =	sst s7  }
0x10: {  	[smem:$0x3FB6] =	sst s8  }
0x11: {  	[smem:$0x3FB7] =	sst s9;
	s0 =	simm.s32 @!p0 $0x0  }
0x12: {  	s1 =	sld [smem:$0x3F9D];
	s0 =	simm.s32 @p0 $0x1  }
0x13: {  	[smem:$0x3FB8] =	sst s0;
	s0 =	simm.s32 @!p1 $0x0  }
0x14: {  	s2 =	sld [smem:$0x3F9C];
	s0 =	simm.s32 @p1 $0x1  }
0x15: {  	[smem:$0x3FB9] =	sst s0;
	s0 =	simm.s32 @!p2 $0x0  }
0x16: {  	s3 =	sld [smem:$0x3FDB];
	s0 =	simm.s32 @p2 $0x1  }
0x17: {  	s4 =	simm.s32 $0x1BF5;
	[smem:$0x3FBB] =	sst s0  }
0x18: {  	s0 =	sld [smem:$0x3F9E];
	_ =	swait.ge [sflag:s4], $0x0  }
0x19: {  	s7 =	sld [smem:$0x3F9F]  }
0x1a: {  	s8 =	sadd.s32 $0xFFFFE003, lr  }
0x1b: {  	s9 =	sadd.s32 $0xFFFFFEF7, lr;
	s5 =	simm.s32 $0xFFFFFFFF;
	p2 =	slt.u32 s8, $0xFFFFF086  }
0x1c: {  	p1 =	slt.u32 s9, $0xF7A;
	s5 =	simm.s32 @!p2 $0x0  }
0x1d: {  	s5 =	simm.s32 @p1 $0x1;
	p0 =	seq.s32 s7, s2  }
0x1e: {  	s7 =	smul.u32 @!p0 $0xF7A, s2;
	p2 =	seq.s32 @!p0 s5, $0x0  }
0x1f: {  	s9 =	smul.u32 $0xF7A, s1;
	s8 =	simm.s32 @!p0 $0x1BF5;
	p2 =	por !p2, p0  }
0x20: {  	[sflag:s8] =	ssyncset.s32 @!p0 $0xFFFFF086;
	s6 =	sadd.s32 @!p0 s3, s7;
	s7 =	simm.s32 @!p0 $0x108  }
0x21: {  	s3 =	sadd.s32 s3, s9;
	s6 =	sadd.s32 @!p0 $0x88, s6;
	s7 =	simm.s32 @p2 $0x1082  }
0x22: {  	[simem:s7], [sflag:s8] =	dma.local @!p0 [hbm:s6], $0xF7A  }
0x23: {  	s9 =	sor.u32 $0xD0000000, s2;
	s6 =	simm.s32 $0x108;
	_ =	swait.ge @!p0 [sflag:s8], $0x0  }
0x24: {  	s3 =	sadd.s32 $0x88, s3;
	s6 =	simm.s32 @!p1 $0x1082;
	[sflag:s4] =	ssyncset.s32 $0xFFFFF086  }
0x25: {  	[simem:s6], [sflag:s4] =	dma.local [hbm:s3], $0xF7A  }
0x26: {  	[smem:$0x3F9F] =	sst s1;
	(tag) =	ssettag s2;
	_ =	strace s9  }
0x27: {  	s1 =	sld [smem:$0x3FAF]  }
0x28: {  	s2 =	sld [smem:$0x3FB0]  }
0x29: {  	s4 =	sld [smem:$0x3FB2]  }
0x2a: {  	p0 =	seq.s32 s5, $0x0;
	s5 =	sld [smem:$0x3FB3]  }
0x2b: {  	s6 =	sld [smem:$0x3FB4]  }
0x2c: {  	s7 =	sld [smem:$0x3FB5]  }
0x2d: {  	s3 =	simm.s32 $0x108;
	s8 =	sld [smem:$0x3FB6]  }
0x2e: {  	s3 =	simm.s32 @!p0 $0x1082;
	s9 =	sld [smem:$0x3FB7]  }
0x2f: {  	lr =	sadd.s32 s0, s3;
	s0 =	sld [smem:$0x3FAE]  }
0x30: {  	s3 =	sld [smem:$0x3FB1]  }
0x31: {  	[smem:$0x3FBA] =	sst s10  }
0x32: {  	s10 =	sld [smem:$0x3FB8];
	_ =	sdelay $0x3  }
0x33: {  	p0 =	seq.s32 s10, $0x1;
	s10 =	sld [smem:$0x3FBA];
	_ =	sdelay $0x3  }
0x34: {  	[smem:$0x3FBA] =	sst s10  }
0x35: {  	s10 =	sld [smem:$0x3FB9];
	_ =	sdelay $0x3  }
0x36: {  	p1 =	seq.s32 s10, $0x1;
	s10 =	sld [smem:$0x3FBA];
	_ =	sdelay $0x3  }
0x37: {  	[smem:$0x3FBA] =	sst s10  }
0x38: {  	s10 =	sld [smem:$0x3FBB]  }
0x39: {  	_ = 	snop;
	(pc) =	sbr.ind lr, $3  }
0x3a: {  	_ = 	snop  }
0x3b: {  	_ = 	snop  }
0x3c: {  	p2 =	seq.s32 s10, $0x1;
	s10 =	sld [smem:$0x3FBA]  }
0x3d: {  	_ =	shalt  }
0x3e: {  	_ =	shalt  }
0x3f: {  	_ =	shalt  }
0x40: {  	_ =	shalt  }
0x41: {  	_ =	shalt  }
0x42: {  	_ =	shalt  }
0x43: {  	_ =	shalt  }
0x44: {  	_ =	shalt  }
0x45: {  	_ =	shalt  }
0x46: {  	_ =	shalt  }
0x47: {  	_ =	shalt  }
0x48: {  	_ =	shalt  }
0x49: {  	_ =	shalt  }
0x4a: {  	_ =	shalt  }
0x4b: {  	_ =	shalt  }
0x4c: {  	_ =	shalt  }
0x4d: {  	_ =	shalt  }
0x4e: {  	_ =	shalt  }
0x4f: {  	_ =	shalt  }
0x50: {  	_ =	shalt  }
0x51: {  	_ =	shalt  }
0x52: {  	_ =	shalt  }
0x53: {  	_ =	shalt  }
0x54: {  	_ =	shalt  }
0x55: {  	_ =	shalt  }
0x56: {  	_ =	shalt  }
0x57: {  	_ =	shalt  }
0x58: {  	_ =	shalt  }
0x59: {  	_ =	shalt  }
0x5a: {  	_ =	shalt  }
0x5b: {  	_ =	shalt  }
0x5c: {  	_ =	shalt  }
0x5d: {  	_ =	shalt  }
0x5e: {  	_ =	shalt  }
0x5f: {  	_ =	shalt  }
0x60: {  	_ =	shalt  }
0x61: {  	_ =	shalt  }
0x62: {  	_ =	shalt  }
0x63: {  	_ =	shalt  }
0x64: {  	_ =	shalt  }
0x65: {  	_ =	shalt  }
0x66: {  	_ =	shalt  }
0x67: {  	_ =	shalt  }
0x68: {  	_ =	shalt  }
0x69: {  	_ =	shalt  }
0x6a: {  	_ =	shalt  }
0x6b: {  	_ =	shalt  }
0x6c: {  	_ =	shalt  }
0x6d: {  	_ =	shalt  }
0x6e: {  	_ =	shalt  }
0x6f: {  	_ =	shalt  }
0x70: {  	_ =	shalt  }
0x71: {  	_ =	shalt  }
0x72: {  	_ =	shalt  }
0x73: {  	_ =	shalt  }
0x74: {  	_ =	shalt  }
0x75: {  	_ =	shalt  }
0x76: {  	_ =	shalt  }
0x77: {  	_ =	shalt  }
0x78: {  	_ =	shalt  }
0x79: {  	_ =	shalt  }
0x7a: {  	_ =	shalt  }
0x7b: {  	_ =	shalt  }
0x7c: {  	_ =	shalt  }
0x7d: {  	_ =	shalt  }
0x7e: {  	_ =	shalt  }
0x7f: {  	_ =	shalt  }
0x80: {  	_ =	shalt  }
0x81: {  	_ =	shalt  }
0x82: {  	_ =	shalt  }
0x83: {  	_ =	shalt  }
0x84: {  	_ =	shalt  }
0x85: {  	_ =	shalt  }
0x86: {  	_ =	shalt  }
0x87: {  	_ =	shalt  }
.Lfunc_end0:
.L_simem_size_0:
called_computation_lowered:
.L_overlay_start_0:
0x88: {  	s0 =	sld [smem:$0x3FD9]  }
0x89: {  	s1 =	sld [smem:$0x3FFE];
	_ =	sdelay $0x3  }
0x8a: {  	s0 =	sadd.s32 s1, s0  }
0x8b: {  	[smem:$0x3FC6] =	sst s0  }
0x8c: {  	_ = 	snop  }
0x8d: {  	s0 =	sld [smem:$0x3FC9]  }
0x8e: {  	s16 =	sld [smem:$0x3FD0];
	(tm) =	ssettm $0x1  }
0x8f: {  	s2 =	sld [smem:$0x3FFB];
	_ =	sdelay $0x3  }
0x90: {  	_ =	strace s2  }
0x91: {  	s2 =	sld [smem:$0x3FFC];
	_ =	sdelay $0x3  }
0x92: {  	_ =	strace s2  }
0x93: {  	s2 =	sld [smem:$0x3FFD];
	_ =	sdelay $0x3  }
0x94: {  	_ =	strace s2  }
0x95: {  	_ =	strace $0x8FFFFFFF  }
0x96: {  	s17 =	sld [smem:$0x3FDB];
	_ =	sdelay $0x1  }
0x97: {  	s3 =	simm.s32 $_scs_section_size  }
0x98: {  	s4 =	simm.s32 $_size__tile_overlayer_lowered;
	s5 =	simm.s32 $_tile_overlayer_lowered  }
0x99: {  	s20 =	simm.s32 $0x1BFF;
	s19 =	sshll.u32 s5, $0x1;
	s2 =	sadd.s32 s3, s17  }
0x9a: {  	s6 =	simm.s32 $0x0;
	s18 =	sshll.u32 s4, $0x1;
	s4 =	sadd.s32 s19, s2  }
0x9b: {  	[timem:s6], [sflag:s20] =	dma.local [hbm:s4], s18  }
0x9c: {  	_ =	swait.ge [sflag:s20], s18  }
0x9d: {  	s3 =	ssub.s32 $0x0, s18;
	[sflag:s20] =	ssyncset.done $0x0  }
0x9e: {  	[sflag:s20] =	ssyncadd.s32 s3;
	_ =	sdelay $0x1  }
0x9f: {  	s21 =	simm.s32 $0x1B8B  }
0xa0: {  	_ =	swait.ge [sflag:s21], $0x1  }
0xa1: {  	[sflag:s21] =	ssyncset.done $0x0  }
0xa2: {  	s23 =	simm.s32 $0x1B8E;
	s22 =	sld [smem:$0x3FFE];
	[sflag:s21] =	ssyncadd.s32 $0xFFFFFFFF  }
0xa3: {  	s24 =	simm.s32 $execute0_lowered;
	[smem:$0x3FD2] =	sst s23  }
0xa4: {  	s4 =	sshll.u32 s24, $0x1;
	_ =	strace $0x80000046;
	[dreg:$0x1] =	wrdreg $0xFFFFFFFF  }
0xa5: {  	s25 =	simm.s32 $_size_execute0_lowered;
	s2 =	sadd.s32 s2, s4;
	[dreg:$0x0] =	wrdreg $0x0  }
0xa6: {  	s4 =	sshll.u32 s25, $0x1;
	[dreg:$0x2] =	wrdreg s2  }
0xa7: {  	[dreg:$0x3] =	wrdreg s4  }
0xa8: {  	[dreg:$0x4] =	wrdreg $0xC0  }
0xa9: {  	_ =	task [dreg:s6], $0x5FFFF  }
0xaa: {  	[dreg:$0x1] =	wrdreg $0xFFFFFFFF  }
0xab: {  	[dreg:$0x0] =	wrdreg $0x60  }
0xac: {  	[dreg:$0x2] =	wrdreg s0  }
0xad: {  	[dreg:$0x3] =	wrdreg s22  }
0xae: {  	[dreg:$0x4] =	wrdreg s16  }
0xaf: {  	[dreg:$0x5] =	wrdreg $0x9  }
0xb0: {  	_ =	task.clear_ibuf [dreg:s6], $0x6FFFF;
	_ =	strace $0x90000046  }
0xb1: {  	s26 =	simm.s32 $0x9;
	_ =	strace $0x80000048  }
0xb2: {  	_ =	swait.ge [sflag:s26], $0x1  }
0xb3: {  	[sflag:s26] =	ssyncadd.s32 $0xFFFFFFFF  }
0xb4: {  	_ =	strace $0x90000048  }
0xb5: {  	_ =	sfence  }
0xb6: {  	s28 =	sld [smem:$0x0];
	_ =	sdelay $0x1  }
0xb7: {  	s29 =	srdreg.scid  }
0xb8: {  	s30 =	sshll.u32 s29, $0xD;
	s31 =	sshrl.u32 s29, $0x2  }
0xb9: {  	s1 =	sand.u32 $0x1, s29;
	s2 =	sand.u32 $0x4000, s30;
	s0 =	sadd.s32 s31, s28  }
0xba: {  	s1 =	sor.u32 s2, s1;
	s0 =	sshll.u32 s0, $0x11  }
0xbb: {  	s0 =	sor.u32 s0, s1  }
0xbc: {  	s0 =	sadd.s32 $0x8F2B, s0  }
0xbd: {  	[sflag:s0] =	ssyncadd.remote.s32 $0x1  }
0xbe: {  	_ =	sfence.sel $0xFFFF  }
0xbf: {  	[dreg:$0x0] =	wrdreg $0xFFFFFFFF;
	(pc) =	sbr.abs _section_cstart, $3  }
0xc0: {  	[dreg:$0x1] =	wrdreg $0xFFFFFFFF  }
0xc1: {  	_ =	task.clear_ibuf [dreg:s6], $0x2FFFF;
	_ =	strace $0x9FFFFFFF  }
0xc2: {  	(tm) =	ssettm $0x7FFFFFFF  }
0xc3: {  	_ =	shalt  }
tec
execute0_lowered:
.L_overlay_start_1:
0x0: {  	(tag) =	ssettag $0x1  }
0x1: {  	s4 =	rddreg [dreg:$0x0]  }
0x2: {  	s5 =	rddreg [dreg:$0x1]  }
0x3: {  	s2 =	rddreg [dreg:$0x2]  }
0x4: {  	s0 =	rddreg [dreg:$0x3];
	s3 =	simm.s32 $0x0;
	s1 =	stileid.u32  }
0x5: {  	s21 =	simm.s32 $0x80;
	[smem:$0x7FF] =	sst s3;
	s6 =	sshll.u32 s1, $0x9  }
0x6: {  	s7 =	simm.s32 $0x200;
	v0 =	vlaneseq.u32;
	_ =	strace $0x80000047;
	s4 =	sadd.s32 s4, s6  }
0x7: {  	v3 =	vmul.u32 $0x8, v0;
	[tilespmem:s3], [sflag:$0x1] =	stream.strided.gather [hbm4b:s4+s21], $0x400, s7, s21, $0x38;
	[tilespmem:$0x2480] =	vst v63  }
0x8: {  	s23 =	simm.s32 $0x400;
	s24 =	simm.s32 $0x2;
	s22 =	sadd.s32 $0x400, s5  }
0x9: {  	v1 =	vor.u32 $0x1, v3;
	[tilespmem:s23], [sflag:$0x2] =	stream.linear.gather [hbm4b:s22+s3], $0x80, $0x38;
	[tilespmem:$0x2480] =	vst v63  }
0xa: {  	v2 =	vor.u32 $0x2, v3;
	_ =	swait.ge [sflag:s24], $0x80  }
0xb: {  	v4 =	vor.u32 $0x3, v3;
	[sflag:s24] =	ssyncset.done $0x0  }
0xc: {  	v5 =	vor.u32 $0x4, v3;
	[sflag:s24] =	ssyncadd.s32 $0xFFFFFF80  }
0xd: {  	v6 =	vor.u32 $0x5, v3;
	v0 =	vld.idx.msk [tilespmem:v3+s23+$0x0], $0xffff  }
0xe: {  	v7 =	vor.u32 $0x6, v3;
	v1 =	vld.idx.msk [tilespmem:v1+s23+$0x0], $0xffff  }
0xf: {  	v8 =	vor.u32 $0x7, v3;
	v2 =	vld.idx.msk [tilespmem:v2+s23+$0x0], $0xffff  }
0x10: {  	v3 =	vld.idx.msk [tilespmem:v4+s23+$0x0], $0xffff  }
0x11: {  	v4 =	vld.idx.msk [tilespmem:v5+s23+$0x0], $0xffff  }
0x12: {  	v5 =	vld.idx.msk [tilespmem:v6+s23+$0x0], $0xffff  }
0x13: {  	s25 =	simm.s32 $0x1;
	v6 =	vld.idx.msk [tilespmem:v7+s23+$0x0], $0xffff  }
0x14: {  	s26 =	simm.s32 $0x0;
	v7 =	vld.idx.msk [tilespmem:v8+s23+$0x0], $0xffff;
	_ =	swait.ge [sflag:s25], $0x400  }
0x15: {  	s28 =	sand.u32 $0x60, s3;
	s5 =	sand.u32 $0x3FFFFF80, s26;
	[sflag:s25] =	ssyncset.done $0x0  }
0x16: {  	s29 =	sor.u32 s28, s5;
	[sflag:s25] =	ssyncadd.s32 $0xFFFFFC00  }
0x17: {  	v8 =	vld [tilespmem:s29+$0x0];
	_ =	sdelay $0x4  }
0x18: {  	v9 =	vshrl.u32 v8, $0x1B  }
0x19: {  	s30 =	simm.s32 $0x0;
	v9 =	vand.u32 $0x10, v9  }
0x1a: {  	s4 =	sand.u32 $0x3FFFFC00, s30;
	v8 =	vadd.s32 v8, v9  }
0x1b: {  	s4 =	sadd.s32 $0x480, s4;
	v9 =	vperm.xlane v0, v8  }
0x1c: {  	s31 =	sor.u32 s28, s4;
	v10 =	vperm.xlane v6, v8  }
0x1d: {  	v11 =	vperm.xlane v3, v8;
	[tilespmem:s31+$0x0] =	vst v9  }
0x1e: {  	v9 =	vperm.xlane v2, v8;
	[tilespmem:s31+$0x300] =	vst v10  }
0x1f: {  	v10 =	vperm.xlane v7, v8;
	[tilespmem:s31+$0x180] =	vst v11  }
0x20: {  	v11 =	vperm.xlane v1, v8;
	[tilespmem:s31+$0x100] =	vst v9  }
0x21: {  	v9 =	vperm.xlane v4, v8;
	[tilespmem:s31+$0x380] =	vst v10  }
0x22: {  	v8 =	vperm.xlane v5, v8;
	[tilespmem:s31+$0x80] =	vst v11  }
0x23: {  	s6 =	sor.u32 $0x10, s28;
	[tilespmem:s31+$0x200] =	vst v9  }
0x24: {  	s5 =	sor.u32 s6, s5;
	[tilespmem:s31+$0x280] =	vst v8  }
0x25: {  	v8 =	vld [tilespmem:s5+$0x0];
	_ =	sdelay $0x4  }
0x26: {  	v9 =	vshrl.u32 v8, $0x1B  }
0x27: {  	v9 =	vand.u32 $0x10, v9  }
0x28: {  	v11 =	vadd.s32 v8, v9  }
0x29: {  	v8 =	vperm.xlane v0, v11  }
0x2a: {  	s5 =	sor.u32 s6, s4;
	v9 =	vperm.xlane v1, v11  }
0x2b: {  	v10 =	vperm.xlane v3, v11;
	v12 =	vperm.xlane v5, v11;
	[tilespmem:s5+$0x0] =	vst v8  }
0x2c: {  	[tilespmem:s5+$0x80] =	vst v9;
	v8 =	vperm.xlane v2, v11;
	v9 =	vperm.xlane v4, v11  }
0x2d: {  	[tilespmem:s5+$0x180] =	vst v10;
	v10 =	vperm.xlane v6, v11;
	v11 =	vperm.xlane v7, v11  }
0x2e: {  	s4 =	simm.s32 $0x0;
	[tilespmem:s5+$0x280] =	vst v12  }
.LBB2_1:
0x2f: {  	s4 =	sadd.s32 $0x2, s4;
	[tilespmem:s5+$0x380] =	vst v11;
	s3 =	sadd.s32 $0x20, s3  }
0x30: {  	s6 =	sshll.u32 s4, $0x4;
	s7 =	sshll.u32 s4, $0x7;
	p0 =	slt.u32 s4, $0x3E;
	[tilespmem:s5+$0x300] =	vst v10  }
0x31: {  	s8 =	sand.u32 $0x60, s3;
	s6 =	sand.u32 $0x3FFFFF80, s6;
	s7 =	sand.u32 $0x3FFFFC00, s7;
	[tilespmem:s5+$0x200] =	vst v9  }
0x32: {  	s10 =	sor.u32 $0x10, s8;
	s9 =	sor.u32 s8, s6;
	s7 =	sadd.s32 $0x480, s7;
	[tilespmem:s5+$0x100] =	vst v8  }
0x33: {  	s5 =	sor.u32 s10, s6;
	v8 =	vld [tilespmem:s9+$0x0];
	_ =	sdelay $0x4  }
0x34: {  	v9 =	vshrl.u32 v8, $0x1B  }
0x35: {  	v9 =	vand.u32 $0x10, v9  }
0x36: {  	v8 =	vadd.s32 v8, v9  }
0x37: {  	v9 =	vperm.xlane v0, v8;
	v10 =	vperm.xlane v6, v8  }
0x38: {  	s6 =	sor.u32 s8, s7;
	v11 =	vperm.xlane v2, v8;
	v12 =	vperm.xlane v3, v8  }
0x39: {  	v13 =	vperm.xlane v5, v8;
	[tilespmem:s6+$0x0] =	vst v9;
	v9 =	vperm.xlane v4, v8  }
0x3a: {  	v14 =	vperm.xlane v1, v8;
	v8 =	vperm.xlane v7, v8;
	[tilespmem:s6+$0x300] =	vst v10  }
0x3b: {  	[tilespmem:s6+$0x180] =	vst v12  }
0x3c: {  	[tilespmem:s6+$0x100] =	vst v11  }
0x3d: {  	[tilespmem:s6+$0x380] =	vst v8  }
0x3e: {  	[tilespmem:s6+$0x80] =	vst v14  }
0x3f: {  	[tilespmem:s6+$0x200] =	vst v9  }
0x40: {  	[tilespmem:s6+$0x280] =	vst v13  }
0x41: {  	v8 =	vld [tilespmem:s5+$0x0];
	_ =	sdelay $0x4  }
0x42: {  	v9 =	vshrl.u32 v8, $0x1B  }
0x43: {  	v9 =	vand.u32 $0x10, v9  }
0x44: {  	v11 =	vadd.s32 v8, v9  }
0x45: {  	v9 =	vperm.xlane v0, v11;
	v10 =	vperm.xlane v1, v11  }
.Ltmp0:
0x46: {  	s5 =	sor.u32 s10, s7;
	v8 =	vperm.xlane v2, v11;
	v12 =	vperm.xlane v3, v11;
	(pc) =	sbr.rel @p0 .LBB2_1-.Ltmp0, $4  }
0x47: {  	v13 =	vperm.xlane v5, v11;
	[tilespmem:s5+$0x0] =	vst v9;
	v9 =	vperm.xlane v4, v11  }
0x48: {  	[tilespmem:s5+$0x80] =	vst v10;
	v10 =	vperm.xlane v6, v11;
	v11 =	vperm.xlane v7, v11  }
0x49: {  	[tilespmem:s5+$0x180] =	vst v12  }
0x4a: {  	[tilespmem:s5+$0x280] =	vst v13  }
0x4b: {  	[tilespmem:s5+$0x380] =	vst v11  }
0x4c: {  	[tilespmem:s5+$0x300] =	vst v10  }
0x4d: {  	[tilespmem:s5+$0x200] =	vst v9;
	s3 =	sshll.u32 s1, $0xA;
	s30 =	simm.s32 $0x0  }
0x4e: {  	[tilespmem:s5+$0x100] =	vst v8;
	s4 =	simm.s32 $0x480;
	s31 =	simm.s32 $0x3;
	s2 =	sadd.s32 s2, s3  }
0x4f: {  	[hbm4b:s2+s30] =	stream.linear.scatter [tilespmem:s4], [sflag:$0x3], $0x2000, $0x38;
	[tilespmem:$0x2480] =	vst v63  }
0x50: {  	_ =	swait.ge [sflag:s31], $0x2000  }
0x51: {  	[sflag:s31] =	ssyncset.done $0x0  }
0x52: {  	[sflag:s31] =	ssyncadd.s32 $0xFFFFE000  }
0x53: {  	_ =	sfence.sel $0x180000  }
0x54: {  	[bflag:$0x0] =	sbarrier.arrive $0xFFFF  }
0x55: {  	p0 =	sne.s32 s1, $0x0;
	_ =	strace $0x90000047  }
0x56: {  	s0 =	sadd.s32 @!p0 $0x100000, s0;
	[bflag:$0x2] =	sbarrier.arrive $0xFFFF  }
0x57: {  	[sflag:s0] =	ssyncadd.tile.s32 @!p0 $0x1;
	_ =	shalt  }
.Lfunc_end2:
_tile_overlayer_lowered:
.L_overlay_start_2:
0x58: {  	(tag) =	ssettag $0x2  }
0x59: {  	s0 =	rddreg [dreg:$0x0];
	s2 =	stileid.u32  }
0x5a: {  	s1 =	rddreg [dreg:$0x1];
	p0 =	sne.s32 s2, $0x0  }
0x5b: {  	s3 =	rddreg [dreg:$0x2];
	[bflag:$0x3] =	sbarrier.arrive $0xFFFF;
	s2 =	simm.s32 @!p0 $0x1C03  }
0x5c: {  	[timem:s3], [sflag:s2] =	dma.local @!p0 [hbm:s0], s1  }
0x5d: {  	s0 =	simm.s32 @!p0 $0x3  }
0x5e: {  	_ =	swait.ge @!p0 [sflag:s0], s1  }
0x5f: {  	s1 =	ssub.s32 @!p0 $0x0, s1;
	[sflag:s0] =	ssyncset.done @!p0 $0x0  }
0x60: {  	[sflag:s0] =	ssyncadd.s32 @!p0 s1  }
0x61: {  	[bflag:$0x3] =	sbarrier.arrive $0xFFFF  }
0x62: {  	_ =	shalt  }

</sc_bundles>
